<compile_context>
chip_gen: v7x
topology: tpu7x:2x2x1
jax: 0.10.2.dev20260603
libtpu: 0.0.44.dev20260713+nightly
codegen_flags: <defaults>
</compile_context>

<pallas_src>
import functools
import jax
import jax.numpy as jnp
from jax import lax
from jax.experimental import pallas as pl
from jax.experimental.pallas import tpu as pltpu, tpu_sc as plsc

VOCAB_D = 1024
SEQ_LEN = 2048
N_BATCH = 16
P_LEN = 40
N_REL1 = 238
HALF_P = P_LEN // 2

C = 16
N_CHUNK = 1024 // C


def _body(tokens_hbm, wte_hbm, prompts_hbm, out_hbm,
          idx_v, buf0, buf1, tok16, idxp, pbuf,
          gs0, gs1, psem):
    p = lax.axis_index("c")
    b = lax.axis_index("s")
    base = b * SEQ_LEN + P_LEN + p * (1024 - P_LEN)

    pltpu.sync_copy(tokens_hbm.at[pl.ds(base, 1024)], idx_v)

    def start_chunk(i, buf, sem):
        pltpu.async_copy(wte_hbm.at[idx_v.at[pl.ds(i * C, C)]], buf, sem)

    def wait_chunk(i, buf, sem):
        pltpu.make_async_copy(wte_hbm.at[idx_v.at[pl.ds(i * C, C)]],
                              buf, sem).wait()

    start_chunk(0, buf0, gs0)

    pltpu.sync_copy(tokens_hbm.at[pl.ds(b * SEQ_LEN + P_LEN, 16)], tok16)
    tv = tok16[pl.ds(0, 16)]
    r = (tv[1] % N_REL1) * P_LEN
    io = lax.iota(jnp.int32, 16)

    def prompt_share(pr0, cnt):
        idxp[pl.ds(0, 16)] = jnp.minimum(io, cnt - 1) + (r + pr0)
        idxp[pl.ds(16, 16)] = jnp.minimum(io + 16, cnt - 1) + (r + pr0)
        pltpu.async_copy(prompts_hbm.at[idxp], pbuf, psem).wait()
        pltpu.sync_copy(pbuf.at[pl.ds(0, cnt)],
                        out_hbm.at[pl.ds(b * SEQ_LEN + pr0, cnt)])

    @pl.when(p == 0)
    def _():
        prompt_share(0, 24)

    @pl.when(p == 1)
    def _():
        prompt_share(24, 16)

    def loop_body(j, carry):
        start_chunk(2 * j + 1, buf1, gs1)
        wait_chunk(2 * j, buf0, gs0)
        pltpu.sync_copy(buf0, out_hbm.at[pl.ds(base + (2 * j) * C, C)])

        @pl.when(j < N_CHUNK // 2 - 1)
        def _():
            start_chunk(2 * j + 2, buf0, gs0)

        wait_chunk(2 * j + 1, buf1, gs1)
        pltpu.sync_copy(buf1, out_hbm.at[pl.ds(base + (2 * j + 1) * C, C)])
        return carry

    lax.fori_loop(0, N_CHUNK // 2, loop_body, 0)


@functools.partial(
    pl.kernel,
    out_type=jax.ShapeDtypeStruct((N_BATCH * SEQ_LEN, VOCAB_D), jnp.float32),
    mesh=plsc.VectorSubcoreMesh(core_axis_name="c", subcore_axis_name="s"),
    scratch_types=[
        pltpu.VMEM((1024,), jnp.int32),
        pltpu.VMEM((C, VOCAB_D), jnp.float32),
        pltpu.VMEM((C, VOCAB_D), jnp.float32),
        pltpu.VMEM((16,), jnp.int32),
        pltpu.VMEM((32,), jnp.int32),
        pltpu.VMEM((32, VOCAB_D), jnp.float32),
        pltpu.SemaphoreType.DMA,
        pltpu.SemaphoreType.DMA,
        pltpu.SemaphoreType.DMA,
    ],
)
def _gather_kernel(tokens_hbm, wte_hbm, prompts_hbm, out_hbm, *scratch):
    _body(tokens_hbm, wte_hbm, prompts_hbm, out_hbm, *scratch)


@jax.jit
def kernel(tokens, wte_weight, prompts):
    tokens_flat = tokens.reshape(-1)
    prompts_flat = prompts.reshape(N_REL1 * P_LEN, VOCAB_D)
    out = _gather_kernel(tokens_flat, wte_weight, prompts_flat)
    return out.reshape(N_BATCH, SEQ_LEN, VOCAB_D)

# --- scband reference (transcript-rebuilt; emitter-appended) ---
"""Pipeline reference for scband-soft-prompt-704374637037 (READ-ONLY COPY).

The authoritative reference and input builder live on the scoring server;
editing this copy changes nothing except your own understanding.
"""

import jax, jax.numpy as jnp
import numpy as np

VOCAB = 50265
D_MODEL = 1024
NUM_RELS = 237
PROMPT_LEN = 40
BATCH = 16
SEQ = 2048

def setup_inputs(seed: int = 0) -> dict:
    key = jax.random.key(seed)
    k_tok, k_wte, k_prompt = jax.random.split(key, 3)
    tokens = jax.random.randint(k_tok, (BATCH, SEQ), 0, VOCAB, dtype=jnp.int32)
    wte_weight = jax.random.normal(k_wte, (VOCAB, D_MODEL), dtype=jnp.float32) * 0.02
    # prompts parameter: (num_rels + 1, prompt_length, d_model), 'random' init
    prompts = jax.random.normal(k_prompt, (NUM_RELS + 1, PROMPT_LEN, D_MODEL), dtype=jnp.float32)
    return {"tokens": tokens, "wte_weight": wte_weight, "prompts": prompts}

def reference(tokens, wte_weight, prompts):
    # tok_id2rel_id dict lookup modeled as deterministic map token_id -> rel_id in [0, num_rels]
    rel_tokens = tokens[:, PROMPT_LEN + 1] % (NUM_RELS + 1)          # [B]
    soft_prompts = jnp.take(prompts, rel_tokens, axis=0)             # [B, prompt_len, d]
    input_embedding = jnp.take(wte_weight, tokens[:, PROMPT_LEN:], axis=0)  # [B, S - prompt_len, d]
    return jnp.concatenate([soft_prompts, input_embedding], axis=1)  # [B, S, d]

if False:  # reference __main__ guard neutralized (emitter)
    out = reference(**setup_inputs())
    print(out.shape, out.dtype)

if __name__ == "__main__":
    import jax
    _d = setup_inputs()
    print(jax.jit(kernel)(*tuple(_d.values())))

</pallas_src>

<mosaic_0001>
#map = affine_map<(d0, d1) -> (0)>
#map1 = affine_map<(d0, d1) -> (0, 0)>
module attributes {stable_mosaic.version = 14 : i64} {
  func.func @_gather_kernel(%arg0: i32, %arg1: i32, %arg2: memref<32768xi32, #tpu.memory_space<hbm>>, %arg3: memref<50265x1024xf32, #tpu.memory_space<hbm>>, %arg4: memref<9520x1024xf32, #tpu.memory_space<hbm>>, %arg5: memref<32768x1024xf32, #tpu.memory_space<hbm>>, %arg6: memref<1024xi32, #tpu.memory_space<vmem>>, %arg7: memref<16x1024xf32, #tpu.memory_space<vmem>>, %arg8: memref<16x1024xf32, #tpu.memory_space<vmem>>, %arg9: memref<16xi32, #tpu.memory_space<vmem>>, %arg10: memref<32xi32, #tpu.memory_space<vmem>>, %arg11: memref<32x1024xf32, #tpu.memory_space<vmem>>, %arg12: memref<!tpu.dma_semaphore, #tpu.memory_space<semaphore_mem>>, %arg13: memref<!tpu.dma_semaphore, #tpu.memory_space<semaphore_mem>>, %arg14: memref<!tpu.dma_semaphore, #tpu.memory_space<semaphore_mem>>) attributes {dimension_semantics = [#tpu.dimension_semantics<core_parallel>, #tpu.dimension_semantics<subcore_parallel>], iteration_bounds = array<i64: 2, 16>, scalar_prefetch = 0 : i64, scratch_operands = 9 : i64, tpu.core_type = #tpu.core_type<sc_vector_subcore>, window_params = [{transform_indices = #map}, {transform_indices = #map1}, {transform_indices = #map1}, {transform_indices = #map1}]} {
    %mul3A = arith.constant 2048 : i32
    %mul3A_0 = arith.muli %arg1, %mul3A : i32
    %add3A = arith.constant 40 : i32
    %add3A_1 = arith.addi %mul3A_0, %add3A : i32
    %mul3A_2 = arith.constant 984 : i32
    %mul3A_3 = arith.muli %arg0, %mul3A_2 : i32
    %add3A_4 = arith.addi %add3A_1, %mul3A_3 : i32
    "tpu.region"() ({
      %run_scoped3A = tpu.sem_alloc : memref<!tpu.dma_semaphore, #tpu.memory_space<semaphore_mem>>
      %dma_start3A_39 = tpu.memref_slice %arg2[%add3A_4] : memref<32768xi32, #tpu.memory_space<hbm>> -> memref<1024xi32, #tpu.memory_space<hbm>>
      %dma_start3A_40 = tpu.memref_slice %arg2[%add3A_4] : memref<32768xi32, #tpu.memory_space<hbm>> -> memref<1024xi32, #tpu.memory_space<hbm>>
      tpu.enqueue_dma source(%dma_start3A_40 : memref<1024xi32, #tpu.memory_space<hbm>>) target(%arg6 : memref<1024xi32, #tpu.memory_space<vmem>>) target_semaphore(%run_scoped3A : memref<!tpu.dma_semaphore, #tpu.memory_space<semaphore_mem>>)
      %dma_wait3A = tpu.memref_slice %arg2[%add3A_4] : memref<32768xi32, #tpu.memory_space<hbm>> -> memref<1024xi32, #tpu.memory_space<hbm>>
      %dma_wait3A_41 = tpu.memref_slice %arg2[%add3A_4] : memref<32768xi32, #tpu.memory_space<hbm>> -> memref<1024xi32, #tpu.memory_space<hbm>>
      tpu.wait_dma2 semaphore(%run_scoped3A : memref<!tpu.dma_semaphore, #tpu.memory_space<semaphore_mem>>) src(%dma_wait3A_41 : memref<1024xi32, #tpu.memory_space<hbm>>) dst(%arg6 : memref<1024xi32, #tpu.memory_space<vmem>>)
      tpu.yield
    }) : () -> ()
    %dma_start3A = arith.constant 0 : i32
    %dma_start3A_5 = tpu.memref_slice %arg6[%dma_start3A] : memref<1024xi32, #tpu.memory_space<vmem>> -> memref<16xi32, #tpu.memory_space<vmem>>
    %dma_start3A_6 = arith.constant 0 : i32
    %dma_start3A_7 = arith.constant 0 : i32
    %dma_start3A_8 = tpu.memref_slice %arg3[%dma_start3A_6, %dma_start3A_7] : memref<50265x1024xf32, #tpu.memory_space<hbm>> -> memref<50265x1024xf32, #tpu.memory_space<hbm>>
    tpu.enqueue_indirect_dma source(%dma_start3A_8 : memref<50265x1024xf32, #tpu.memory_space<hbm>>) target(%arg7 : memref<16x1024xf32, #tpu.memory_space<vmem>>) offsets(%dma_start3A_5 : memref<16xi32, #tpu.memory_space<vmem>>) semaphore(%arg12 : memref<!tpu.dma_semaphore, #tpu.memory_space<semaphore_mem>>)
    %mul3A_9 = arith.constant 2048 : i32
    %mul3A_10 = arith.muli %arg1, %mul3A_9 : i32
    %add3A_11 = arith.constant 40 : i32
    %add3A_12 = arith.addi %mul3A_10, %add3A_11 : i32
    "tpu.region"() ({
      %run_scoped3A = tpu.sem_alloc : memref<!tpu.dma_semaphore, #tpu.memory_space<semaphore_mem>>
      %dma_start3A_39 = tpu.memref_slice %arg2[%add3A_12] : memref<32768xi32, #tpu.memory_space<hbm>> -> memref<16xi32, #tpu.memory_space<hbm>>
      %dma_start3A_40 = tpu.memref_slice %arg2[%add3A_12] : memref<32768xi32, #tpu.memory_space<hbm>> -> memref<16xi32, #tpu.memory_space<hbm>>
      tpu.enqueue_dma source(%dma_start3A_40 : memref<16xi32, #tpu.memory_space<hbm>>) target(%arg9 : memref<16xi32, #tpu.memory_space<vmem>>) target_semaphore(%run_scoped3A : memref<!tpu.dma_semaphore, #tpu.memory_space<semaphore_mem>>)
      %dma_wait3A = tpu.memref_slice %arg2[%add3A_12] : memref<32768xi32, #tpu.memory_space<hbm>> -> memref<16xi32, #tpu.memory_space<hbm>>
      %dma_wait3A_41 = tpu.memref_slice %arg2[%add3A_12] : memref<32768xi32, #tpu.memory_space<hbm>> -> memref<16xi32, #tpu.memory_space<hbm>>
      tpu.wait_dma2 semaphore(%run_scoped3A : memref<!tpu.dma_semaphore, #tpu.memory_space<semaphore_mem>>) src(%dma_wait3A_41 : memref<16xi32, #tpu.memory_space<hbm>>) dst(%arg9 : memref<16xi32, #tpu.memory_space<vmem>>)
      tpu.yield
    }) : () -> ()
    %get3A = arith.constant 0 : index
    %get3A_13 = tpu.vector_load %arg9[%get3A] {strides = array<i32>} : memref<16xi32, #tpu.memory_space<vmem>>, vector<16xi32>,
    %get3A_14 = vector.shape_cast %get3A_13 : vector<16xi32> to vector<16xi32>
    %slice3A = vector.extract_strided_slice %get3A_14 {offsets = [1], sizes = [1], strides = [1]} : vector<16xi32> to vector<1xi32>
    %squeeze3A = vector.extract %slice3A[0] : i32 from vector<1xi32>
    %jit3A = arith.constant 238 : i32
    %eq3A = arith.constant 0 : i32
    %eq3A_15 = arith.cmpi eq, %jit3A, %eq3A : i32
    %jit3A_16 = arith.constant 1 : i32
    %select_n3A = arith.select %eq3A_15, %jit3A_16, %jit3A : i32
    %rem3A = arith.remsi %squeeze3A, %select_n3A : i32
    %ne3A = arith.constant 0 : i32
    %ne3A_17 = arith.cmpi ne, %rem3A, %ne3A : i32
    %lt3A = arith.constant 0 : i32
    %lt3A_18 = arith.cmpi slt, %rem3A, %lt3A : i32
    %lt3A_19 = arith.constant 0 : i32
    %lt3A_20 = arith.cmpi slt, %select_n3A, %lt3A_19 : i32
    %ne3A_21 = arith.xori %lt3A_18, %lt3A_20 : i1
    %and3A = arith.andi %ne3A_21, %ne3A_17 : i1
    %add3A_22 = arith.addi %rem3A, %select_n3A : i32
    %select_n3A_23 = arith.select %and3A, %add3A_22, %rem3A : i32
    %mul3A_24 = arith.constant 40 : i32
    %mul3A_25 = arith.muli %select_n3A_23, %mul3A_24 : i32
    %iota3A = tpu.iota {dimensions = array<i32: 0>} : vector<16xi32>
    %eq3A_26 = arith.constant 0 : i32
    %eq3A_27 = arith.cmpi eq, %arg0, %eq3A_26 : i32
    %convert_element_type3A = arith.extui %eq3A_27 : i1 to i32
    %cond3A = arith.constant 0 : i32
    %cond3A_28 = arith.cmpi ne, %convert_element_type3A, %cond3A : i32
    scf.if %cond3A_28 {
      %min3A = arith.constant 23 : i32
      %min3A_39 = vector.broadcast %min3A : i32 to vector<16xi32>
      %min3A_40 = arith.minsi %iota3A, %min3A_39 : vector<16xi32>
      %add3A_41 = arith.constant 0 : i32
      %add3A_42 = arith.addi %mul3A_25, %add3A_41 : i32
      %add3A_43 = vector.broadcast %add3A_42 : i32 to vector<16xi32>
      %add3A_44 = arith.addi %min3A_40, %add3A_43 : vector<16xi32>
      %swap3A = arith.constant 0 : index
      %swap3A_45 = tpu.vector_load %arg10[%swap3A] {strides = array<i32>} : memref<32xi32, #tpu.memory_space<vmem>>, vector<16xi32>,
      %swap3A_46 = vector.shape_cast %swap3A_45 : vector<16xi32> to vector<16xi32>
      %swap3A_47 = vector.shape_cast %add3A_44 : vector<16xi32> to vector<16xi32>
      tpu.vector_store %arg10[%swap3A], %swap3A_47 {strides = array<i32>} : memref<32xi32, #tpu.memory_space<vmem>>, vector<16xi32>,
      %add3A_48 = arith.constant 16 : i32
      %add3A_49 = vector.broadcast %add3A_48 : i32 to vector<16xi32>
      %add3A_50 = arith.addi %iota3A, %add3A_49 : vector<16xi32>
      %min3A_51 = arith.constant 23 : i32
      %min3A_52 = vector.broadcast %min3A_51 : i32 to vector<16xi32>
      %min3A_53 = arith.minsi %add3A_50, %min3A_52 : vector<16xi32>
      %add3A_54 = arith.constant 0 : i32
      %add3A_55 = arith.addi %mul3A_25, %add3A_54 : i32
      %add3A_56 = vector.broadcast %add3A_55 : i32 to vector<16xi32>
      %add3A_57 = arith.addi %min3A_53, %add3A_56 : vector<16xi32>
      %swap3A_58 = arith.constant 16 : index
      %swap3A_59 = tpu.vector_load %arg10[%swap3A_58] {strides = array<i32>} : memref<32xi32, #tpu.memory_space<vmem>>, vector<16xi32>,
      %swap3A_60 = vector.shape_cast %swap3A_59 : vector<16xi32> to vector<16xi32>
      %swap3A_61 = vector.shape_cast %add3A_57 : vector<16xi32> to vector<16xi32>
      tpu.vector_store %arg10[%swap3A_58], %swap3A_61 {strides = array<i32>} : memref<32xi32, #tpu.memory_space<vmem>>, vector<16xi32>,
      %dma_start3A_62 = arith.constant 0 : i32
      %dma_start3A_63 = arith.constant 0 : i32
      %dma_start3A_64 = tpu.memref_slice %arg4[%dma_start3A_62, %dma_start3A_63] : memref<9520x1024xf32, #tpu.memory_space<hbm>> -> memref<9520x1024xf32, #tpu.memory_space<hbm>>
      tpu.enqueue_indirect_dma source(%dma_start3A_64 : memref<9520x1024xf32, #tpu.memory_space<hbm>>) target(%arg11 : memref<32x1024xf32, #tpu.memory_space<vmem>>) offsets(%arg10 : memref<32xi32, #tpu.memory_space<vmem>>) semaphore(%arg14 : memref<!tpu.dma_semaphore, #tpu.memory_space<semaphore_mem>>)
      %dma_wait3A = arith.constant 0 : i32
      %dma_wait3A_65 = arith.constant 0 : i32
      %dma_wait3A_66 = tpu.memref_slice %arg4[%dma_wait3A, %dma_wait3A_65] : memref<9520x1024xf32, #tpu.memory_space<hbm>> -> memref<9520x1024xf32, #tpu.memory_space<hbm>>
      tpu.wait_indirect_dma semaphore(%arg14 : memref<!tpu.dma_semaphore, #tpu.memory_space<semaphore_mem>>) src(%dma_wait3A_66 : memref<9520x1024xf32, #tpu.memory_space<hbm>>) dst(%arg11 : memref<32x1024xf32, #tpu.memory_space<vmem>>)
      %mul3A_67 = arith.constant 2048 : i32
      %mul3A_68 = arith.muli %arg1, %mul3A_67 : i32
      %add3A_69 = arith.constant 0 : i32
      %add3A_70 = arith.addi %mul3A_68, %add3A_69 : i32
      "tpu.region"() ({
        %run_scoped3A = tpu.sem_alloc : memref<!tpu.dma_semaphore, #tpu.memory_space<semaphore_mem>>
        %dma_start3A_71 = arith.constant 0 : i32
        %dma_start3A_72 = arith.constant 0 : i32
        %dma_start3A_73 = tpu.memref_slice %arg11[%dma_start3A_71, %dma_start3A_72] : memref<32x1024xf32, #tpu.memory_space<vmem>> -> memref<24x1024xf32, #tpu.memory_space<vmem>>
        %dma_start3A_74 = arith.constant 0 : i32
        %dma_start3A_75 = tpu.memref_slice %arg5[%add3A_70, %dma_start3A_74] : memref<32768x1024xf32, #tpu.memory_space<hbm>> -> memref<24x1024xf32, #tpu.memory_space<hbm>>
        %dma_start3A_76 = arith.constant 0 : i32
        %dma_start3A_77 = tpu.memref_slice %arg5[%add3A_70, %dma_start3A_76] : memref<32768x1024xf32, #tpu.memory_space<hbm>> -> memref<24x1024xf32, #tpu.memory_space<hbm>>
        %dma_start3A_78 = arith.constant 0 : i32
        %dma_start3A_79 = arith.constant 0 : i32
        %dma_start3A_80 = tpu.memref_slice %arg11[%dma_start3A_78, %dma_start3A_79] : memref<32x1024xf32, #tpu.memory_space<vmem>> -> memref<24x1024xf32, #tpu.memory_space<vmem>>
        tpu.enqueue_dma source(%dma_start3A_80 : memref<24x1024xf32, #tpu.memory_space<vmem>>) target(%dma_start3A_77 : memref<24x1024xf32, #tpu.memory_space<hbm>>) target_semaphore(%run_scoped3A : memref<!tpu.dma_semaphore, #tpu.memory_space<semaphore_mem>>)
        %dma_wait3A_81 = arith.constant 0 : i32
        %dma_wait3A_82 = arith.constant 0 : i32
        %dma_wait3A_83 = tpu.memref_slice %arg11[%dma_wait3A_81, %dma_wait3A_82] : memref<32x1024xf32, #tpu.memory_space<vmem>> -> memref<24x1024xf32, #tpu.memory_space<vmem>>
        %dma_wait3A_84 = arith.constant 0 : i32
        %dma_wait3A_85 = tpu.memref_slice %arg5[%add3A_70, %dma_wait3A_84] : memref<32768x1024xf32, #tpu.memory_space<hbm>> -> memref<24x1024xf32, #tpu.memory_space<hbm>>
        %dma_wait3A_86 = arith.constant 0 : i32
        %dma_wait3A_87 = tpu.memref_slice %arg5[%add3A_70, %dma_wait3A_86] : memref<32768x1024xf32, #tpu.memory_space<hbm>> -> memref<24x1024xf32, #tpu.memory_space<hbm>>
        %dma_wait3A_88 = arith.constant 0 : i32
        %dma_wait3A_89 = arith.constant 0 : i32
        %dma_wait3A_90 = tpu.memref_slice %arg11[%dma_wait3A_88, %dma_wait3A_89] : memref<32x1024xf32, #tpu.memory_space<vmem>> -> memref<24x1024xf32, #tpu.memory_space<vmem>>
        tpu.wait_dma2 semaphore(%run_scoped3A : memref<!tpu.dma_semaphore, #tpu.memory_space<semaphore_mem>>) src(%dma_wait3A_90 : memref<24x1024xf32, #tpu.memory_space<vmem>>) dst(%dma_wait3A_87 : memref<24x1024xf32, #tpu.memory_space<hbm>>)
        tpu.yield
      }) : () -> ()
    } else {
    }
    %eq3A_29 = arith.constant 1 : i32
    %eq3A_30 = arith.cmpi eq, %arg0, %eq3A_29 : i32
    %convert_element_type3A_31 = arith.extui %eq3A_30 : i1 to i32
    %cond3A_32 = arith.constant 0 : i32
    %cond3A_33 = arith.cmpi ne, %convert_element_type3A_31, %cond3A_32 : i32
    scf.if %cond3A_33 {
      %min3A = arith.constant 15 : i32
      %min3A_39 = vector.broadcast %min3A : i32 to vector<16xi32>
      %min3A_40 = arith.minsi %iota3A, %min3A_39 : vector<16xi32>
      %add3A_41 = arith.constant 24 : i32
      %add3A_42 = arith.addi %mul3A_25, %add3A_41 : i32
      %add3A_43 = vector.broadcast %add3A_42 : i32 to vector<16xi32>
      %add3A_44 = arith.addi %min3A_40, %add3A_43 : vector<16xi32>
      %swap3A = arith.constant 0 : index
      %swap3A_45 = tpu.vector_load %arg10[%swap3A] {strides = array<i32>} : memref<32xi32, #tpu.memory_space<vmem>>, vector<16xi32>,
      %swap3A_46 = vector.shape_cast %swap3A_45 : vector<16xi32> to vector<16xi32>
      %swap3A_47 = vector.shape_cast %add3A_44 : vector<16xi32> to vector<16xi32>
      tpu.vector_store %arg10[%swap3A], %swap3A_47 {strides = array<i32>} : memref<32xi32, #tpu.memory_space<vmem>>, vector<16xi32>,
      %add3A_48 = arith.constant 16 : i32
      %add3A_49 = vector.broadcast %add3A_48 : i32 to vector<16xi32>
      %add3A_50 = arith.addi %iota3A, %add3A_49 : vector<16xi32>
      %min3A_51 = arith.constant 15 : i32
      %min3A_52 = vector.broadcast %min3A_51 : i32 to vector<16xi32>
      %min3A_53 = arith.minsi %add3A_50, %min3A_52 : vector<16xi32>
      %add3A_54 = arith.constant 24 : i32
      %add3A_55 = arith.addi %mul3A_25, %add3A_54 : i32
      %add3A_56 = vector.broadcast %add3A_55 : i32 to vector<16xi32>
      %add3A_57 = arith.addi %min3A_53, %add3A_56 : vector<16xi32>
      %swap3A_58 = arith.constant 16 : index
      %swap3A_59 = tpu.vector_load %arg10[%swap3A_58] {strides = array<i32>} : memref<32xi32, #tpu.memory_space<vmem>>, vector<16xi32>,
      %swap3A_60 = vector.shape_cast %swap3A_59 : vector<16xi32> to vector<16xi32>
      %swap3A_61 = vector.shape_cast %add3A_57 : vector<16xi32> to vector<16xi32>
      tpu.vector_store %arg10[%swap3A_58], %swap3A_61 {strides = array<i32>} : memref<32xi32, #tpu.memory_space<vmem>>, vector<16xi32>,
      %dma_start3A_62 = arith.constant 0 : i32
      %dma_start3A_63 = arith.constant 0 : i32
      %dma_start3A_64 = tpu.memref_slice %arg4[%dma_start3A_62, %dma_start3A_63] : memref<9520x1024xf32, #tpu.memory_space<hbm>> -> memref<9520x1024xf32, #tpu.memory_space<hbm>>
      tpu.enqueue_indirect_dma source(%dma_start3A_64 : memref<9520x1024xf32, #tpu.memory_space<hbm>>) target(%arg11 : memref<32x1024xf32, #tpu.memory_space<vmem>>) offsets(%arg10 : memref<32xi32, #tpu.memory_space<vmem>>) semaphore(%arg14 : memref<!tpu.dma_semaphore, #tpu.memory_space<semaphore_mem>>)
      %dma_wait3A = arith.constant 0 : i32
      %dma_wait3A_65 = arith.constant 0 : i32
      %dma_wait3A_66 = tpu.memref_slice %arg4[%dma_wait3A, %dma_wait3A_65] : memref<9520x1024xf32, #tpu.memory_space<hbm>> -> memref<9520x1024xf32, #tpu.memory_space<hbm>>
      tpu.wait_indirect_dma semaphore(%arg14 : memref<!tpu.dma_semaphore, #tpu.memory_space<semaphore_mem>>) src(%dma_wait3A_66 : memref<9520x1024xf32, #tpu.memory_space<hbm>>) dst(%arg11 : memref<32x1024xf32, #tpu.memory_space<vmem>>)
      %mul3A_67 = arith.constant 2048 : i32
      %mul3A_68 = arith.muli %arg1, %mul3A_67 : i32
      %add3A_69 = arith.constant 24 : i32
      %add3A_70 = arith.addi %mul3A_68, %add3A_69 : i32
      "tpu.region"() ({
        %run_scoped3A = tpu.sem_alloc : memref<!tpu.dma_semaphore, #tpu.memory_space<semaphore_mem>>
        %dma_start3A_71 = arith.constant 0 : i32
        %dma_start3A_72 = arith.constant 0 : i32
        %dma_start3A_73 = tpu.memref_slice %arg11[%dma_start3A_71, %dma_start3A_72] : memref<32x1024xf32, #tpu.memory_space<vmem>> -> memref<16x1024xf32, #tpu.memory_space<vmem>>
        %dma_start3A_74 = arith.constant 0 : i32
        %dma_start3A_75 = tpu.memref_slice %arg5[%add3A_70, %dma_start3A_74] : memref<32768x1024xf32, #tpu.memory_space<hbm>> -> memref<16x1024xf32, #tpu.memory_space<hbm>>
        %dma_start3A_76 = arith.constant 0 : i32
        %dma_start3A_77 = tpu.memref_slice %arg5[%add3A_70, %dma_start3A_76] : memref<32768x1024xf32, #tpu.memory_space<hbm>> -> memref<16x1024xf32, #tpu.memory_space<hbm>>
        %dma_start3A_78 = arith.constant 0 : i32
        %dma_start3A_79 = arith.constant 0 : i32
        %dma_start3A_80 = tpu.memref_slice %arg11[%dma_start3A_78, %dma_start3A_79] : memref<32x1024xf32, #tpu.memory_space<vmem>> -> memref<16x1024xf32, #tpu.memory_space<vmem>>
        tpu.enqueue_dma source(%dma_start3A_80 : memref<16x1024xf32, #tpu.memory_space<vmem>>) target(%dma_start3A_77 : memref<16x1024xf32, #tpu.memory_space<hbm>>) target_semaphore(%run_scoped3A : memref<!tpu.dma_semaphore, #tpu.memory_space<semaphore_mem>>)
        %dma_wait3A_81 = arith.constant 0 : i32
        %dma_wait3A_82 = arith.constant 0 : i32
        %dma_wait3A_83 = tpu.memref_slice %arg11[%dma_wait3A_81, %dma_wait3A_82] : memref<32x1024xf32, #tpu.memory_space<vmem>> -> memref<16x1024xf32, #tpu.memory_space<vmem>>
        %dma_wait3A_84 = arith.constant 0 : i32
        %dma_wait3A_85 = tpu.memref_slice %arg5[%add3A_70, %dma_wait3A_84] : memref<32768x1024xf32, #tpu.memory_space<hbm>> -> memref<16x1024xf32, #tpu.memory_space<hbm>>
        %dma_wait3A_86 = arith.constant 0 : i32
        %dma_wait3A_87 = tpu.memref_slice %arg5[%add3A_70, %dma_wait3A_86] : memref<32768x1024xf32, #tpu.memory_space<hbm>> -> memref<16x1024xf32, #tpu.memory_space<hbm>>
        %dma_wait3A_88 = arith.constant 0 : i32
        %dma_wait3A_89 = arith.constant 0 : i32
        %dma_wait3A_90 = tpu.memref_slice %arg11[%dma_wait3A_88, %dma_wait3A_89] : memref<32x1024xf32, #tpu.memory_space<vmem>> -> memref<16x1024xf32, #tpu.memory_space<vmem>>
        tpu.wait_dma2 semaphore(%run_scoped3A : memref<!tpu.dma_semaphore, #tpu.memory_space<semaphore_mem>>) src(%dma_wait3A_90 : memref<16x1024xf32, #tpu.memory_space<vmem>>) dst(%dma_wait3A_87 : memref<16x1024xf32, #tpu.memory_space<hbm>>)
        tpu.yield
      }) : () -> ()
    } else {
    }
    %scan3A = arith.constant 0 : i32
    %scan3A_34 = arith.constant 0 : i32
    %scan3A_35 = arith.constant 32 : i32
    %scan3A_36 = arith.addi %scan3A_34, %scan3A_35 : i32
    %scan3A_37 = arith.constant 1 : i32
    scf.for %scan3A_39 = %scan3A_34 to %scan3A_36 step %scan3A_37  : i32 {
      %mul3A_40 = arith.constant 2 : i32
      %mul3A_41 = arith.muli %mul3A_40, %scan3A_39 : i32
      %add3A_42 = arith.constant 1 : i32
      %add3A_43 = arith.addi %mul3A_41, %add3A_42 : i32
      %mul3A_44 = arith.constant 16 : i32
      %mul3A_45 = arith.muli %add3A_43, %mul3A_44 : i32
      %dma_start3A_46 = tpu.memref_slice %arg6[%mul3A_45] : memref<1024xi32, #tpu.memory_space<vmem>> -> memref<16xi32, #tpu.memory_space<vmem>>
      %dma_start3A_47 = arith.constant 0 : i32
      %dma_start3A_48 = arith.constant 0 : i32
      %dma_start3A_49 = tpu.memref_slice %arg3[%dma_start3A_47, %dma_start3A_48] : memref<50265x1024xf32, #tpu.memory_space<hbm>> -> memref<50265x1024xf32, #tpu.memory_space<hbm>>
      tpu.enqueue_indirect_dma source(%dma_start3A_49 : memref<50265x1024xf32, #tpu.memory_space<hbm>>) target(%arg8 : memref<16x1024xf32, #tpu.memory_space<vmem>>) offsets(%dma_start3A_46 : memref<16xi32, #tpu.memory_space<vmem>>) semaphore(%arg13 : memref<!tpu.dma_semaphore, #tpu.memory_space<semaphore_mem>>)
      %mul3A_50 = arith.constant 2 : i32
      %mul3A_51 = arith.muli %mul3A_50, %scan3A_39 : i32
      %mul3A_52 = arith.constant 16 : i32
      %mul3A_53 = arith.muli %mul3A_51, %mul3A_52 : i32
      %dma_wait3A = tpu.memref_slice %arg6[%mul3A_53] : memref<1024xi32, #tpu.memory_space<vmem>> -> memref<16xi32, #tpu.memory_space<vmem>>
      %dma_wait3A_54 = arith.constant 0 : i32
      %dma_wait3A_55 = arith.constant 0 : i32
      %dma_wait3A_56 = tpu.memref_slice %arg3[%dma_wait3A_54, %dma_wait3A_55] : memref<50265x1024xf32, #tpu.memory_space<hbm>> -> memref<50265x1024xf32, #tpu.memory_space<hbm>>
      tpu.wait_indirect_dma semaphore(%arg12 : memref<!tpu.dma_semaphore, #tpu.memory_space<semaphore_mem>>) src(%dma_wait3A_56 : memref<50265x1024xf32, #tpu.memory_space<hbm>>) dst(%arg7 : memref<16x1024xf32, #tpu.memory_space<vmem>>)
      %mul3A_57 = arith.constant 2 : i32
      %mul3A_58 = arith.muli %mul3A_57, %scan3A_39 : i32
      %mul3A_59 = arith.constant 16 : i32
      %mul3A_60 = arith.muli %mul3A_58, %mul3A_59 : i32
      %add3A_61 = arith.addi %add3A_4, %mul3A_60 : i32
      "tpu.region"() ({
        %run_scoped3A = tpu.sem_alloc : memref<!tpu.dma_semaphore, #tpu.memory_space<semaphore_mem>>
        %dma_start3A_84 = arith.constant 0 : i32
        %dma_start3A_85 = tpu.memref_slice %arg5[%add3A_61, %dma_start3A_84] : memref<32768x1024xf32, #tpu.memory_space<hbm>> -> memref<16x1024xf32, #tpu.memory_space<hbm>>
        %dma_start3A_86 = arith.constant 0 : i32
        %dma_start3A_87 = tpu.memref_slice %arg5[%add3A_61, %dma_start3A_86] : memref<32768x1024xf32, #tpu.memory_space<hbm>> -> memref<16x1024xf32, #tpu.memory_space<hbm>>
        tpu.enqueue_dma source(%arg7 : memref<16x1024xf32, #tpu.memory_space<vmem>>) target(%dma_start3A_87 : memref<16x1024xf32, #tpu.memory_space<hbm>>) target_semaphore(%run_scoped3A : memref<!tpu.dma_semaphore, #tpu.memory_space<semaphore_mem>>)
        %dma_wait3A_88 = arith.constant 0 : i32
        %dma_wait3A_89 = tpu.memref_slice %arg5[%add3A_61, %dma_wait3A_88] : memref<32768x1024xf32, #tpu.memory_space<hbm>> -> memref<16x1024xf32, #tpu.memory_space<hbm>>
        %dma_wait3A_90 = arith.constant 0 : i32
        %dma_wait3A_91 = tpu.memref_slice %arg5[%add3A_61, %dma_wait3A_90] : memref<32768x1024xf32, #tpu.memory_space<hbm>> -> memref<16x1024xf32, #tpu.memory_space<hbm>>
        tpu.wait_dma2 semaphore(%run_scoped3A : memref<!tpu.dma_semaphore, #tpu.memory_space<semaphore_mem>>) src(%arg7 : memref<16x1024xf32, #tpu.memory_space<vmem>>) dst(%dma_wait3A_91 : memref<16x1024xf32, #tpu.memory_space<hbm>>)
        tpu.yield
      }) : () -> ()
      %lt3A_62 = arith.constant 31 : i32
      %lt3A_63 = arith.cmpi slt, %scan3A_39, %lt3A_62 : i32
      %convert_element_type3A_64 = arith.extui %lt3A_63 : i1 to i32
      %cond3A_65 = arith.constant 0 : i32
      %cond3A_66 = arith.cmpi ne, %convert_element_type3A_64, %cond3A_65 : i32
      scf.if %cond3A_66 {
        %mul3A_84 = arith.constant 2 : i32
        %mul3A_85 = arith.muli %mul3A_84, %scan3A_39 : i32
        %add3A_86 = arith.constant 2 : i32
        %add3A_87 = arith.addi %mul3A_85, %add3A_86 : i32
        %mul3A_88 = arith.constant 16 : i32
        %mul3A_89 = arith.muli %add3A_87, %mul3A_88 : i32
        %dma_start3A_90 = tpu.memref_slice %arg6[%mul3A_89] : memref<1024xi32, #tpu.memory_space<vmem>> -> memref<16xi32, #tpu.memory_space<vmem>>
        %dma_start3A_91 = arith.constant 0 : i32
        %dma_start3A_92 = arith.constant 0 : i32
        %dma_start3A_93 = tpu.memref_slice %arg3[%dma_start3A_91, %dma_start3A_92] : memref<50265x1024xf32, #tpu.memory_space<hbm>> -> memref<50265x1024xf32, #tpu.memory_space<hbm>>
        tpu.enqueue_indirect_dma source(%dma_start3A_93 : memref<50265x1024xf32, #tpu.memory_space<hbm>>) target(%arg7 : memref<16x1024xf32, #tpu.memory_space<vmem>>) offsets(%dma_start3A_90 : memref<16xi32, #tpu.memory_space<vmem>>) semaphore(%arg12 : memref<!tpu.dma_semaphore, #tpu.memory_space<semaphore_mem>>)
      } else {
      }
      %mul3A_67 = arith.constant 2 : i32
      %mul3A_68 = arith.muli %mul3A_67, %scan3A_39 : i32
      %add3A_69 = arith.constant 1 : i32
      %add3A_70 = arith.addi %mul3A_68, %add3A_69 : i32
      %mul3A_71 = arith.constant 16 : i32
      %mul3A_72 = arith.muli %add3A_70, %mul3A_71 : i32
      %dma_wait3A_73 = tpu.memref_slice %arg6[%mul3A_72] : memref<1024xi32, #tpu.memory_space<vmem>> -> memref<16xi32, #tpu.memory_space<vmem>>
      %dma_wait3A_74 = arith.constant 0 : i32
      %dma_wait3A_75 = arith.constant 0 : i32
      %dma_wait3A_76 = tpu.memref_slice %arg3[%dma_wait3A_74, %dma_wait3A_75] : memref<50265x1024xf32, #tpu.memory_space<hbm>> -> memref<50265x1024xf32, #tpu.memory_space<hbm>>
      tpu.wait_indirect_dma semaphore(%arg13 : memref<!tpu.dma_semaphore, #tpu.memory_space<semaphore_mem>>) src(%dma_wait3A_76 : memref<50265x1024xf32, #tpu.memory_space<hbm>>) dst(%arg8 : memref<16x1024xf32, #tpu.memory_space<vmem>>)
      %mul3A_77 = arith.constant 2 : i32
      %mul3A_78 = arith.muli %mul3A_77, %scan3A_39 : i32
      %add3A_79 = arith.constant 1 : i32
      %add3A_80 = arith.addi %mul3A_78, %add3A_79 : i32
      %mul3A_81 = arith.constant 16 : i32
      %mul3A_82 = arith.muli %add3A_80, %mul3A_81 : i32
      %add3A_83 = arith.addi %add3A_4, %mul3A_82 : i32
      "tpu.region"() ({
        %run_scoped3A = tpu.sem_alloc : memref<!tpu.dma_semaphore, #tpu.memory_space<semaphore_mem>>
        %dma_start3A_84 = arith.constant 0 : i32
        %dma_start3A_85 = tpu.memref_slice %arg5[%add3A_83, %dma_start3A_84] : memref<32768x1024xf32, #tpu.memory_space<hbm>> -> memref<16x1024xf32, #tpu.memory_space<hbm>>
        %dma_start3A_86 = arith.constant 0 : i32
        %dma_start3A_87 = tpu.memref_slice %arg5[%add3A_83, %dma_start3A_86] : memref<32768x1024xf32, #tpu.memory_space<hbm>> -> memref<16x1024xf32, #tpu.memory_space<hbm>>
        tpu.enqueue_dma source(%arg8 : memref<16x1024xf32, #tpu.memory_space<vmem>>) target(%dma_start3A_87 : memref<16x1024xf32, #tpu.memory_space<hbm>>) target_semaphore(%run_scoped3A : memref<!tpu.dma_semaphore, #tpu.memory_space<semaphore_mem>>)
        %dma_wait3A_88 = arith.constant 0 : i32
        %dma_wait3A_89 = tpu.memref_slice %arg5[%add3A_83, %dma_wait3A_88] : memref<32768x1024xf32, #tpu.memory_space<hbm>> -> memref<16x1024xf32, #tpu.memory_space<hbm>>
        %dma_wait3A_90 = arith.constant 0 : i32
        %dma_wait3A_91 = tpu.memref_slice %arg5[%add3A_83, %dma_wait3A_90] : memref<32768x1024xf32, #tpu.memory_space<hbm>> -> memref<16x1024xf32, #tpu.memory_space<hbm>>
        tpu.wait_dma2 semaphore(%run_scoped3A : memref<!tpu.dma_semaphore, #tpu.memory_space<semaphore_mem>>) src(%arg8 : memref<16x1024xf32, #tpu.memory_space<vmem>>) dst(%dma_wait3A_91 : memref<16x1024xf32, #tpu.memory_space<hbm>>)
        tpu.yield
      }) : () -> ()
    }
    %scan3A_38 = arith.constant 32 : i32
    return
  }
}

</mosaic_0001>

<sc_bundles>
// kernel: kernel.3.cloned.1.call-start
scs
__scs_entry_jumppad:
0x0: {  	(pc) =	sbr.rel $0x88, $3  }
0x1: {  	(tag) =	ssettag $0x0;
	lr =	simm.s32 $0x1  }
0x2: {  	[smem:$0x3F9E] =	sst lr;
	_ =	strace $0xD0000000  }
0x3: {  	_ = 	snop  }
0x4: {  	_ = 	snop  }
0x5: {  	_ = 	snop  }
0x6: {  	_ = 	snop  }
0x7: {  	_ = 	snop  }
__scs_overlays_trampoline_lowered:
0x8: {  	[smem:$0x3FAD] =	sst s0  }
0x9: {  	[smem:$0x3FAE] =	sst s1  }
0xa: {  	[smem:$0x3FAF] =	sst s2  }
0xb: {  	[smem:$0x3FB0] =	sst s3  }
0xc: {  	[smem:$0x3FB1] =	sst s4  }
0xd: {  	[smem:$0x3FB2] =	sst s5  }
0xe: {  	[smem:$0x3FB3] =	sst s6  }
0xf: {  	[smem:$0x3FB4] =	sst s7  }
0x10: {  	[smem:$0x3FB5] =	sst s8  }
0x11: {  	[smem:$0x3FB6] =	sst s9;
	s0 =	simm.s32 @!p0 $0x0  }
0x12: {  	s1 =	sld [smem:$0x3F9C];
	s0 =	simm.s32 @p0 $0x1  }
0x13: {  	[smem:$0x3FB7] =	sst s0;
	s0 =	simm.s32 @!p1 $0x0  }
0x14: {  	s2 =	sld [smem:$0x3F9B];
	s0 =	simm.s32 @p1 $0x1  }
0x15: {  	[smem:$0x3FB8] =	sst s0;
	s0 =	simm.s32 @!p2 $0x0  }
0x16: {  	s3 =	sld [smem:$0x3FDB];
	s0 =	simm.s32 @p2 $0x1  }
0x17: {  	s4 =	simm.s32 $0x1BF5;
	[smem:$0x3FBA] =	sst s0  }
0x18: {  	s0 =	sld [smem:$0x3F9D];
	_ =	swait.ge [sflag:s4], $0x0  }
0x19: {  	s7 =	sld [smem:$0x3F9E]  }
0x1a: {  	s8 =	sadd.s32 $0xFFFFE003, lr  }
0x1b: {  	s9 =	sadd.s32 $0xFFFFFEF7, lr;
	s5 =	simm.s32 $0xFFFFFFFF;
	p2 =	slt.u32 s8, $0xFFFFF086  }
0x1c: {  	p1 =	slt.u32 s9, $0xF7A;
	s5 =	simm.s32 @!p2 $0x0  }
0x1d: {  	s5 =	simm.s32 @p1 $0x1;
	p0 =	seq.s32 s7, s2  }
0x1e: {  	s7 =	smul.u32 @!p0 $0xF7A, s2;
	p2 =	seq.s32 @!p0 s5, $0x0  }
0x1f: {  	s9 =	smul.u32 $0xF7A, s1;
	s8 =	simm.s32 @!p0 $0x1BF5;
	p2 =	por !p2, p0  }
0x20: {  	[sflag:s8] =	ssyncset.s32 @!p0 $0xFFFFF086;
	s6 =	sadd.s32 @!p0 s3, s7;
	s7 =	simm.s32 @!p0 $0x108  }
0x21: {  	s3 =	sadd.s32 s3, s9;
	s6 =	sadd.s32 @!p0 $0x88, s6;
	s7 =	simm.s32 @p2 $0x1082  }
0x22: {  	[simem:s7], [sflag:s8] =	dma.local @!p0 [hbm:s6], $0xF7A  }
0x23: {  	s9 =	sor.u32 $0xD0000000, s2;
	s6 =	simm.s32 $0x108;
	_ =	swait.ge @!p0 [sflag:s8], $0x0  }
0x24: {  	s3 =	sadd.s32 $0x88, s3;
	s6 =	simm.s32 @!p1 $0x1082;
	[sflag:s4] =	ssyncset.s32 $0xFFFFF086  }
0x25: {  	[simem:s6], [sflag:s4] =	dma.local [hbm:s3], $0xF7A  }
0x26: {  	[smem:$0x3F9E] =	sst s1;
	(tag) =	ssettag s2;
	_ =	strace s9  }
0x27: {  	s1 =	sld [smem:$0x3FAE]  }
0x28: {  	s2 =	sld [smem:$0x3FAF]  }
0x29: {  	s4 =	sld [smem:$0x3FB1]  }
0x2a: {  	p0 =	seq.s32 s5, $0x0;
	s5 =	sld [smem:$0x3FB2]  }
0x2b: {  	s6 =	sld [smem:$0x3FB3]  }
0x2c: {  	s7 =	sld [smem:$0x3FB4]  }
0x2d: {  	s3 =	simm.s32 $0x108;
	s8 =	sld [smem:$0x3FB5]  }
0x2e: {  	s3 =	simm.s32 @!p0 $0x1082;
	s9 =	sld [smem:$0x3FB6]  }
0x2f: {  	lr =	sadd.s32 s0, s3;
	s0 =	sld [smem:$0x3FAD]  }
0x30: {  	s3 =	sld [smem:$0x3FB0]  }
0x31: {  	[smem:$0x3FB9] =	sst s10  }
0x32: {  	s10 =	sld [smem:$0x3FB7];
	_ =	sdelay $0x3  }
0x33: {  	p0 =	seq.s32 s10, $0x1;
	s10 =	sld [smem:$0x3FB9];
	_ =	sdelay $0x3  }
0x34: {  	[smem:$0x3FB9] =	sst s10  }
0x35: {  	s10 =	sld [smem:$0x3FB8];
	_ =	sdelay $0x3  }
0x36: {  	p1 =	seq.s32 s10, $0x1;
	s10 =	sld [smem:$0x3FB9];
	_ =	sdelay $0x3  }
0x37: {  	[smem:$0x3FB9] =	sst s10  }
0x38: {  	s10 =	sld [smem:$0x3FBA]  }
0x39: {  	_ = 	snop;
	(pc) =	sbr.ind lr, $3  }
0x3a: {  	_ = 	snop  }
0x3b: {  	_ = 	snop  }
0x3c: {  	p2 =	seq.s32 s10, $0x1;
	s10 =	sld [smem:$0x3FB9]  }
0x3d: {  	_ =	shalt  }
0x3e: {  	_ =	shalt  }
0x3f: {  	_ =	shalt  }
0x40: {  	_ =	shalt  }
0x41: {  	_ =	shalt  }
0x42: {  	_ =	shalt  }
0x43: {  	_ =	shalt  }
0x44: {  	_ =	shalt  }
0x45: {  	_ =	shalt  }
0x46: {  	_ =	shalt  }
0x47: {  	_ =	shalt  }
0x48: {  	_ =	shalt  }
0x49: {  	_ =	shalt  }
0x4a: {  	_ =	shalt  }
0x4b: {  	_ =	shalt  }
0x4c: {  	_ =	shalt  }
0x4d: {  	_ =	shalt  }
0x4e: {  	_ =	shalt  }
0x4f: {  	_ =	shalt  }
0x50: {  	_ =	shalt  }
0x51: {  	_ =	shalt  }
0x52: {  	_ =	shalt  }
0x53: {  	_ =	shalt  }
0x54: {  	_ =	shalt  }
0x55: {  	_ =	shalt  }
0x56: {  	_ =	shalt  }
0x57: {  	_ =	shalt  }
0x58: {  	_ =	shalt  }
0x59: {  	_ =	shalt  }
0x5a: {  	_ =	shalt  }
0x5b: {  	_ =	shalt  }
0x5c: {  	_ =	shalt  }
0x5d: {  	_ =	shalt  }
0x5e: {  	_ =	shalt  }
0x5f: {  	_ =	shalt  }
0x60: {  	_ =	shalt  }
0x61: {  	_ =	shalt  }
0x62: {  	_ =	shalt  }
0x63: {  	_ =	shalt  }
0x64: {  	_ =	shalt  }
0x65: {  	_ =	shalt  }
0x66: {  	_ =	shalt  }
0x67: {  	_ =	shalt  }
0x68: {  	_ =	shalt  }
0x69: {  	_ =	shalt  }
0x6a: {  	_ =	shalt  }
0x6b: {  	_ =	shalt  }
0x6c: {  	_ =	shalt  }
0x6d: {  	_ =	shalt  }
0x6e: {  	_ =	shalt  }
0x6f: {  	_ =	shalt  }
0x70: {  	_ =	shalt  }
0x71: {  	_ =	shalt  }
0x72: {  	_ =	shalt  }
0x73: {  	_ =	shalt  }
0x74: {  	_ =	shalt  }
0x75: {  	_ =	shalt  }
0x76: {  	_ =	shalt  }
0x77: {  	_ =	shalt  }
0x78: {  	_ =	shalt  }
0x79: {  	_ =	shalt  }
0x7a: {  	_ =	shalt  }
0x7b: {  	_ =	shalt  }
0x7c: {  	_ =	shalt  }
0x7d: {  	_ =	shalt  }
0x7e: {  	_ =	shalt  }
0x7f: {  	_ =	shalt  }
0x80: {  	_ =	shalt  }
0x81: {  	_ =	shalt  }
0x82: {  	_ =	shalt  }
0x83: {  	_ =	shalt  }
0x84: {  	_ =	shalt  }
0x85: {  	_ =	shalt  }
0x86: {  	_ =	shalt  }
0x87: {  	_ =	shalt  }
.Lfunc_end0:
.L_simem_size_0:
called_computation_lowered:
.L_overlay_start_0:
0x88: {  	s2 =	sld [smem:$0x3FD9]  }
0x89: {  	s3 =	sld [smem:$0x3FFE];
	_ =	sdelay $0x1  }
0x8a: {  	s1 =	srdreg.scid  }
0x8b: {  	s0 =	sand.u32 $0x1, s1  }
0x8c: {  	s17 =	sshll.u32 s0, $0xA;
	s2 =	sadd.s32 s3, s2  }
0x8d: {  	s2 =	sadd.s32 s2, s17  }
0x8e: {  	[smem:$0x3FC5] =	sst s2  }
0x8f: {  	_ = 	snop  }
0x90: {  	s2 =	sld [smem:$0x3FC8]  }
0x91: {  	s18 =	sld [smem:$0x3FC7]  }
0x92: {  	s4 =	sld [smem:$0x3FD0];
	(tm) =	ssettm $0x1  }
0x93: {  	s5 =	sld [smem:$0x3FFB];
	_ =	sdelay $0x3  }
0x94: {  	_ =	strace s5  }
0x95: {  	s5 =	sld [smem:$0x3FFC];
	_ =	sdelay $0x3  }
0x96: {  	_ =	strace s5  }
0x97: {  	s5 =	sld [smem:$0x3FFD];
	_ =	sdelay $0x3  }
0x98: {  	_ =	strace s5  }
0x99: {  	_ =	strace $0x8FFFFFFF  }
0x9a: {  	s19 =	sld [smem:$0x3FDB];
	_ =	sdelay $0x1  }
0x9b: {  	s6 =	simm.s32 $_scs_section_size  }
0x9c: {  	s7 =	simm.s32 $_size__tile_overlayer_lowered;
	s8 =	simm.s32 $_tile_overlayer_lowered  }
0x9d: {  	s22 =	simm.s32 $0x1BFF;
	s21 =	sshll.u32 s8, $0x1;
	s5 =	sadd.s32 s6, s19  }
0x9e: {  	s9 =	simm.s32 $0x0;
	s20 =	sshll.u32 s7, $0x1;
	s7 =	sadd.s32 s21, s5  }
0x9f: {  	[timem:s9], [sflag:s22] =	dma.local [hbm:s7], s20  }
0xa0: {  	_ =	swait.ge [sflag:s22], s20  }
0xa1: {  	s6 =	ssub.s32 $0x0, s20;
	[sflag:s22] =	ssyncset.done $0x0  }
0xa2: {  	[sflag:s22] =	ssyncadd.s32 s6;
	_ =	sdelay $0x1  }
0xa3: {  	s23 =	simm.s32 $0x1B8B  }
0xa4: {  	_ =	swait.ge [sflag:s23], $0x1  }
0xa5: {  	[sflag:s23] =	ssyncset.done $0x0  }
0xa6: {  	s25 =	simm.s32 $0x1B8E;
	s24 =	sld [smem:$0x3FFE];
	[sflag:s23] =	ssyncadd.s32 $0xFFFFFFFF  }
0xa7: {  	s26 =	simm.s32 $execute0_lowered;
	[smem:$0x3FD2] =	sst s25  }
0xa8: {  	s7 =	sshll.u32 s26, $0x1;
	_ =	strace $0x80000046;
	[dreg:$0x1] =	wrdreg $0xFFFFFFFF  }
0xa9: {  	s28 =	simm.s32 $_size_execute0_lowered;
	s5 =	sadd.s32 s5, s7;
	[dreg:$0x0] =	wrdreg $0x0  }
0xaa: {  	s7 =	sshll.u32 s28, $0x1;
	[dreg:$0x2] =	wrdreg s5  }
0xab: {  	[dreg:$0x3] =	wrdreg s7  }
0xac: {  	[dreg:$0x4] =	wrdreg $0xC0  }
0xad: {  	_ =	task [dreg:s9], $0x5FFFF  }
0xae: {  	[dreg:$0x1] =	wrdreg $0xFFFFFFFF  }
0xaf: {  	[dreg:$0x0] =	wrdreg $0x60  }
0xb0: {  	[dreg:$0x2] =	wrdreg s24  }
0xb1: {  	[dreg:$0x3] =	wrdreg s2  }
0xb2: {  	[dreg:$0x4] =	wrdreg s18  }
0xb3: {  	[dreg:$0x5] =	wrdreg s4  }
0xb4: {  	[dreg:$0x6] =	wrdreg $0x9  }
0xb5: {  	_ =	task.clear_ibuf [dreg:s9], $0x7FFFF;
	_ =	strace $0x90000046  }
0xb6: {  	s29 =	simm.s32 $0x9;
	_ =	strace $0x80000048  }
0xb7: {  	_ =	swait.ge [sflag:s29], $0x1  }
0xb8: {  	[sflag:s29] =	ssyncadd.s32 $0xFFFFFFFF  }
0xb9: {  	_ =	strace $0x90000048  }
0xba: {  	_ =	sfence  }
0xbb: {  	s30 =	sld [smem:$0x0];
	_ =	sdelay $0x2  }
0xbc: {  	s31 =	sshll.u32 s1, $0xD;
	s1 =	sshrl.u32 s1, $0x2  }
0xbd: {  	s3 =	sand.u32 $0x4000, s31;
	s1 =	sadd.s32 s1, s30  }
0xbe: {  	s0 =	sor.u32 s3, s0;
	s1 =	sshll.u32 s1, $0x11  }
0xbf: {  	s0 =	sor.u32 s1, s0  }
0xc0: {  	s0 =	sadd.s32 $0x8F2B, s0  }
0xc1: {  	[sflag:s0] =	ssyncadd.remote.s32 $0x1  }
0xc2: {  	_ =	sfence.sel $0xFFFF  }
0xc3: {  	[dreg:$0x0] =	wrdreg $0xFFFFFFFF;
	(pc) =	sbr.abs _section_cstart, $3  }
0xc4: {  	[dreg:$0x1] =	wrdreg $0xFFFFFFFF  }
0xc5: {  	_ =	task.clear_ibuf [dreg:s9], $0x2FFFF;
	_ =	strace $0x9FFFFFFF  }
0xc6: {  	(tm) =	ssettm $0x7FFFFFFF  }
0xc7: {  	_ =	shalt  }
tec
execute0_lowered:
.L_overlay_start_1:
0x0: {  	(tag) =	ssettag $0x1  }
0x1: {  	s0 =	rddreg [dreg:$0x0]  }
0x2: {  	s1 =	rddreg [dreg:$0x1]  }
0x3: {  	s12 =	rddreg [dreg:$0x2]  }
0x4: {  	s2 =	rddreg [dreg:$0x3];
	s4 =	srdreg.scid  }
0x5: {  	s3 =	stileid.u32;
	s19 =	simm.s32 $0x4;
	s28 =	simm.s32 $0x3C00  }
0x6: {  	s29 =	simm.s32 $0x5C00;
	s15 =	simm.s32 $0x7C00;
	s16 =	simm.s32 $0x1  }
0x7: {  	s17 =	simm.s32 $0x2;
	s18 =	simm.s32 $0x0;
	s5 =	sand.u32 $0x1, s4  }
0x8: {  	s4 =	simm.s32 $0x0;
	s6 =	sshll.u32 s3, $0xB;
	s0 =	sadd.s32 $0x400, s0  }
0x9: {  	s10 =	sadd.s32 $0x100, s12;
	s11 =	sadd.s32 $0x200, s12;
	s12 =	sadd.s32 $0x300, s12  }
0xa: {  	s23 =	sshll.u32 s3, $0x12;
	s7 =	smul.u32 $0x3D8, s5;
	[smem:$0x7FF] =	sst s4  }
0xb: {  	s9 =	sor.u32 $0x28, s6;
	s20 =	ssub.s32 $0x2, s5;
	s6 =	sadd.s32 $0x100, s1  }
0xc: {  	p0 =	seq.s32 s5, $0x1;
	s3 =	sadd.s32 s2, s23;
	s5 =	smul.u32 $0x1EC00, s5  }
0xd: {  	s23 =	simm.s32 $0x1C00;
	_ =	strace $0x80000047;
	s21 =	sshrl.u32 s20, $0x1  }
0xe: {  	s25 =	sadd.s32 $0xC00, s3;
	[dreg:$0x7] =	wrdreg s3;
	s13 =	sadd.s32 s7, s9  }
0xf: {  	s14 =	ssub.s32 s20, s21;
	s7 =	sadd.s32 $0x200, s1;
	s9 =	sshrl.u32 s9, $0x3  }
0x10: {  	[dreg:$0x8] =	wrdreg s25;
	s31 =	sadd.s32 s5, s3;
	s20 =	simm.s32 $0x400  }
0x11: {  	s21 =	simm.s32 $0xC00;
	s25 =	simm.s32 $0x2C00;
	s5 =	simm.s32 $0x6C00  }
0x12: {  	s8 =	sshrl.u32 s13, $0x3;
	s24 =	sshll.u32 s13, $0x7;
	s26 =	smax.u32 s14, $0x1  }
0x13: {  	s14 =	simm.s32 $0x5400;
	s13 =	simm.s32 $0x6400;
	s22 =	sadd.s32 s0, s8  }
0x14: {  	s8 =	sadd.s32 $0x300, s1;
	s0 =	sadd.s32 s0, s9;
	[dreg:$0x9] =	wrdreg s26  }
0x15: {  	v0 =	vlaneseq.u32;
	v2 =	vimm.s32 $0x13121110;
	s26 =	simm.s32 $0x3400;
	[dreg:$0x6] =	wrdreg s0;
	s0 =	sadd.s32 s2, s24  }
0x16: {  	vm0 =	vcmask $0xF00;
	v3 =	vunpack.c.0.s8.s32 v2;
	v2 =	vimm.s32 $0x17161514;
	s9 =	simm.s32 $0x7400;
	[dreg:$0x5] =	wrdreg s22;
	s30 =	sadd.s32 $0x1F000, s0  }
0x17: {  	vm1 =	vcmask $0x1F10;
	v4 =	vshrl.u32 v0, $0x3;
	v5 =	vunpack.c.0.s8.s32 v2;
	s22 =	simm.s32 $0x1400;
	s0 =	sadd.s32 $0x1F800, s0;
	[dreg:$0xa] =	wrdreg s30  }
0x18: {  	v1 =	vand.u32 $0x7, v0;
	v2 =	vmul.u32 $0x8, v4;
	v4 =	vnsel vm0, $0x17, v3;
	s24 =	simm.s32 $0x2400;
	[dreg:$0xb] =	wrdreg s0;
	s0 =	sadd.s32 $0x1400, s31  }
0x19: {  	vm0 =	vmmov $0xffff;
	v3 =	vor.u32 $0x8, v0;
	v4 =	vsel vm1, v5, v4;
	s2 =	simm.s32 $0x4C00;
	[dreg:$0xc] =	wrdreg s0;
	s0 =	simm.s32 $0x4400  }
.LBB2_1:
0x1a: {  	s3 =	rddreg [dreg:$0x5]  }
0x1b: {  	[tilespmem:s4], [sflag:$0x4] =	stream.linear.gather [hbm4b:s3+s4], $0x400, $0x38;
	[tilespmem:$0x10500] =	vst v63  }
0x1c: {  	_ =	swait.ge [sflag:s19], $0x400  }
0x1d: {  	[sflag:s19] =	ssyncset.done $0x0  }
0x1e: {  	[sflag:s19] =	ssyncadd.s32 $0xFFFFFC00  }
0x1f: {  	v5 =	vld [tilespmem:$0x0];
	_ =	sdelay $0x4  }
0x20: {  	v6 =	vshll.u32 v5, $0x3  }
0x21: {  	v5 =	vand.u32 $0x7, v5;
	v6 =	vand.u32 $0xFFFFFFC0, v6  }
0x22: {  	v5 =	vor.u32 v5, v6  }
0x23: {  	v6 =	vperm.xlane v5, v1;
	_ =	sdelay $0x1  }
0x24: {  	v6 =	vadd.s32 v2, v6;
	_ =	sdelay $0x4  }
0x25: {  	[tilespmem:s20], [sflag:$0x1] =	stream.indirect_vreg.gather [hbm4b:s1+s4], $0x80, v6, vm0, $0xb8;
	[tilespmem:$0x10500] =	vst v63  }
0x26: {  	v5 =	vperm.xlane v5, v3  }
0x27: {  	[tilespmem:s21], [sflag:$0x1] =	stream.indirect_vreg.gather [hbm4b:s6+s4], $0x80, v6, vm0, $0xb8;
	[tilespmem:$0x10500] =	vst v63  }
0x28: {  	v5 =	vadd.s32 v2, v5  }
0x29: {  	[tilespmem:s22], [sflag:$0x1] =	stream.indirect_vreg.gather [hbm4b:s7+s4], $0x80, v6, vm0, $0xb8;
	[tilespmem:$0x10500] =	vst v63  }
0x2a: {  	_ = 	snop  }
0x2b: {  	[tilespmem:s23], [sflag:$0x1] =	stream.indirect_vreg.gather [hbm4b:s8+s4], $0x80, v6, vm0, $0xb8;
	[tilespmem:$0x10500] =	vst v63  }
0x2c: {  	_ = 	snop  }
0x2d: {  	[tilespmem:s24], [sflag:$0x1] =	stream.indirect_vreg.gather [hbm4b:s1+s4], $0x80, v5, vm0, $0xb8;
	[tilespmem:$0x10500] =	vst v63  }
0x2e: {  	_ = 	snop  }
0x2f: {  	[tilespmem:s25], [sflag:$0x1] =	stream.indirect_vreg.gather [hbm4b:s6+s4], $0x80, v5, vm0, $0xb8;
	[tilespmem:$0x10500] =	vst v63  }
0x30: {  	_ = 	snop  }
0x31: {  	[tilespmem:s26], [sflag:$0x1] =	stream.indirect_vreg.gather [hbm4b:s7+s4], $0x80, v5, vm0, $0xb8;
	[tilespmem:$0x10500] =	vst v63  }
0x32: {  	_ = 	snop  }
0x33: {  	[tilespmem:s28], [sflag:$0x1] =	stream.indirect_vreg.gather [hbm4b:s8+s4], $0x80, v5, vm0, $0xb8;
	[tilespmem:$0x10500] =	vst v63  }
0x34: {  	s30 =	simm.s32 $0x8400;
	s31 =	rddreg [dreg:$0x6]  }
0x35: {  	[tilespmem:s30], [sflag:$0x4] =	stream.linear.gather [hbm4b:s31+s4], $0x10, $0x38;
	[tilespmem:$0x10500] =	vst v63  }
0x36: {  	_ =	swait.ge [sflag:s19], $0x10  }
0x37: {  	[sflag:s19] =	ssyncset.done $0x0  }
0x38: {  	[sflag:s19] =	ssyncadd.s32 $0xFFFFFFF0  }
0x39: {  	v5 =	vld [tilespmem:$0x8400];
	_ =	sdelay $0x4  }
0x3a: {  	(v2sf) =	vpush v5, $0x1;
	_ =	sdelay $0xe  }
0x3b: {  	s30 =	spop (v2sf)  }
0x3c: {  	s31 =	smulhi.u32 $0x44D72045, s30;
	s3 =	sshra.s32 s30, $0x1F  }
0x3d: {  	s3 =	smul.u32 $0x44D72045, s3;
	_ =	sdelay $0x1  }
0x3e: {  	s3 =	sadd.s32 s3, s31  }
0x3f: {  	s31 =	sshrl.u32 s3, $0x1F;
	s3 =	sshra.s32 s3, $0x6  }
0x40: {  	s3 =	sadd.s32 s31, s3  }
0x41: {  	s3 =	smul.u32 $0xEE, s3  }
.Ltmp0:
0x42: {  	_ = 	snop;
	(pc) =	sbr.rel @!p0 .LBB2_2-.Ltmp0, $4  }
0x43: {  	s3 =	ssub.s32 s30, s3  }
0x44: {  	p1 =	slt.s32 s3, $0x0;
	s30 =	sadd.s32 $0xEE, s3  }
0x45: {  	s3 =	smov.u32 @p1 s30  }
0x46: {  	s30 =	smul.u32 $0x28, s3  }
0x47: {  	_ = 	snop  }
0x48: {  	s3 =	sadd.s32 $0x18, s30  }
0x49: {  	v5 =	vadd.s32 s3, v0  }
0x4a: {  	v6 =	vshll.u32 v5, $0x3  }
0x4b: {  	v6 =	vand.u32 $0xFFFFFFC0, v6  }
0x4c: {  	v6 =	vor.u32 v1, v6  }
0x4d: {  	v7 =	vperm.xlane v6, v1;
	_ =	sdelay $0x1  }
0x4e: {  	v7 =	vadd.s32 v2, v7;
	_ =	sdelay $0x1  }
0x4f: {  	v8 =	vmov s3  }
0x50: {  	[tilespmem:$0x8480] =	vst v5;
	v5 =	vadd.s32 $0xF, v8  }
0x51: {  	s30 =	simm.s32 $0x8500;
	s3 =	rddreg [dreg:$0x2];
	[tilespmem:$0x8490] =	vst v5  }
0x52: {  	[tilespmem:s30], [sflag:$0x3] =	stream.indirect_vreg.gather [hbm4b:s3+s4], $0x80, v7, vm0, $0xb8;
	[tilespmem:$0x10500] =	vst v63  }
0x53: {  	s31 =	simm.s32 $0x8D00;
	v5 =	vperm.xlane v6, v3  }
0x54: {  	[tilespmem:s31], [sflag:$0x3] =	stream.indirect_vreg.gather [hbm4b:s10+s4], $0x80, v7, vm0, $0xb8;
	[tilespmem:$0x10500] =	vst v63  }
0x55: {  	v5 =	vadd.s32 v2, v5;
	s31 =	simm.s32 $0x9500  }
0x56: {  	[tilespmem:s31], [sflag:$0x3] =	stream.indirect_vreg.gather [hbm4b:s11+s4], $0x80, v7, vm0, $0xb8;
	[tilespmem:$0x10500] =	vst v63  }
0x57: {  	s31 =	simm.s32 $0x9D00  }
0x58: {  	[tilespmem:s31], [sflag:$0x3] =	stream.indirect_vreg.gather [hbm4b:s12+s4], $0x80, v7, vm0, $0xb8;
	[tilespmem:$0x10500] =	vst v63  }
0x59: {  	s31 =	simm.s32 $0xA500  }
0x5a: {  	[tilespmem:s31], [sflag:$0x3] =	stream.indirect_vreg.gather [hbm4b:s3+s4], $0x80, v5, vm0, $0xb8;
	[tilespmem:$0x10500] =	vst v63  }
0x5b: {  	s31 =	simm.s32 $0xAD00  }
0x5c: {  	[tilespmem:s31], [sflag:$0x3] =	stream.indirect_vreg.gather [hbm4b:s10+s4], $0x80, v5, vm0, $0xb8;
	[tilespmem:$0x10500] =	vst v63  }
0x5d: {  	s31 =	simm.s32 $0xB500  }
0x5e: {  	[tilespmem:s31], [sflag:$0x3] =	stream.indirect_vreg.gather [hbm4b:s11+s4], $0x80, v5, vm0, $0xb8;
	[tilespmem:$0x10500] =	vst v63  }
0x5f: {  	s31 =	simm.s32 $0xBD00  }
0x60: {  	[tilespmem:s31], [sflag:$0x3] =	stream.indirect_vreg.gather [hbm4b:s12+s4], $0x80, v5, vm0, $0xb8;
	[tilespmem:$0x10500] =	vst v63  }
0x61: {  	v5 =	vld [tilespmem:$0x8490];
	_ =	sdelay $0x4  }
0x62: {  	v6 =	vshll.u32 v5, $0x3  }
0x63: {  	v5 =	vand.u32 $0x7, v5;
	v6 =	vand.u32 $0xFFFFFFC0, v6  }
0x64: {  	v5 =	vor.u32 v5, v6  }
0x65: {  	v6 =	vperm.xlane v5, v1;
	_ =	sdelay $0x1  }
0x66: {  	v6 =	vadd.s32 v2, v6;
	_ =	sdelay $0x3  }
0x67: {  	s31 =	simm.s32 $0xC500  }
0x68: {  	[tilespmem:s31], [sflag:$0x3] =	stream.indirect_vreg.gather [hbm4b:s3+s4], $0x80, v6, vm0, $0xb8;
	[tilespmem:$0x10500] =	vst v63  }
0x69: {  	v5 =	vperm.xlane v5, v3;
	s31 =	simm.s32 $0xCD00  }
0x6a: {  	[tilespmem:s31], [sflag:$0x3] =	stream.indirect_vreg.gather [hbm4b:s10+s4], $0x80, v6, vm0, $0xb8;
	[tilespmem:$0x10500] =	vst v63  }
0x6b: {  	v5 =	vadd.s32 v2, v5;
	s31 =	simm.s32 $0xD500  }
0x6c: {  	[tilespmem:s31], [sflag:$0x3] =	stream.indirect_vreg.gather [hbm4b:s11+s4], $0x80, v6, vm0, $0xb8;
	[tilespmem:$0x10500] =	vst v63  }
0x6d: {  	s31 =	simm.s32 $0xDD00  }
0x6e: {  	[tilespmem:s31], [sflag:$0x3] =	stream.indirect_vreg.gather [hbm4b:s12+s4], $0x80, v6, vm0, $0xb8;
	[tilespmem:$0x10500] =	vst v63  }
0x6f: {  	s31 =	simm.s32 $0xE500  }
0x70: {  	[tilespmem:s31], [sflag:$0x3] =	stream.indirect_vreg.gather [hbm4b:s3+s4], $0x80, v5, vm0, $0xb8;
	[tilespmem:$0x10500] =	vst v63  }
0x71: {  	s31 =	simm.s32 $0xED00  }
0x72: {  	[tilespmem:s31], [sflag:$0x3] =	stream.indirect_vreg.gather [hbm4b:s10+s4], $0x80, v5, vm0, $0xb8;
	[tilespmem:$0x10500] =	vst v63  }
0x73: {  	s31 =	simm.s32 $0xF500  }
0x74: {  	[tilespmem:s31], [sflag:$0x3] =	stream.indirect_vreg.gather [hbm4b:s11+s4], $0x80, v5, vm0, $0xb8;
	[tilespmem:$0x10500] =	vst v63  }
0x75: {  	s31 =	simm.s32 $0xFD00  }
0x76: {  	[tilespmem:s31], [sflag:$0x3] =	stream.indirect_vreg.gather [hbm4b:s12+s4], $0x80, v5, vm0, $0xb8;
	[tilespmem:$0x10500] =	vst v63  }
0x77: {  	s31 =	simm.s32 $0x3  }
0x78: {  	_ =	swait.ge [sflag:s31], $0x8000  }
0x79: {  	[sflag:s31] =	ssyncset.done $0x0  }
.Ltmp1:
0x7a: {  	[sflag:s31] =	ssyncadd.s32 $0xFFFF8000;
	s31 =	rddreg [dreg:$0x8];
	(pc) =	sbr.rel .LBB2_4-.Ltmp1, $4  }
0x7b: {  	[hbm4b:s31+s4] =	stream.linear.scatter [tilespmem:s30], [sflag:$0x4], $0x4000, $0x38;
	[tilespmem:$0x10500] =	vst v63  }
0x7c: {  	_ =	swait.ge [sflag:s19], $0x4000  }
0x7d: {  	[sflag:s19] =	ssyncset.done $0x0  }
0x7e: {  	[sflag:s19] =	ssyncadd.s32 $0xFFFFC000  }
.LBB2_2:
0x7f: {  	_ = 	snop  }
0x80: {  	v5 =	vadd.s32 s30, v0  }
0x81: {  	v6 =	vshll.u32 v5, $0x3  }
0x82: {  	v6 =	vand.u32 $0xFFFFFFC0, v6  }
0x83: {  	v6 =	vor.u32 v1, v6  }
0x84: {  	v7 =	vperm.xlane v6, v1;
	_ =	sdelay $0x1  }
0x85: {  	v7 =	vadd.s32 v2, v7;
	_ =	sdelay $0x2  }
0x86: {  	[tilespmem:$0x8480] =	vst v5;
	v5 =	vadd.s32 s30, v4  }
0x87: {  	s3 =	rddreg [dreg:$0x2];
	s30 =	simm.s32 $0x8500;
	[tilespmem:$0x8490] =	vst v5  }
0x88: {  	[tilespmem:s30], [sflag:$0x3] =	stream.indirect_vreg.gather [hbm4b:s3+s4], $0x80, v7, vm0, $0xb8;
	[tilespmem:$0x10500] =	vst v63  }
0x89: {  	s31 =	simm.s32 $0x8D00;
	v5 =	vperm.xlane v6, v3  }
0x8a: {  	[tilespmem:s31], [sflag:$0x3] =	stream.indirect_vreg.gather [hbm4b:s10+s4], $0x80, v7, vm0, $0xb8;
	[tilespmem:$0x10500] =	vst v63  }
0x8b: {  	v5 =	vadd.s32 v2, v5;
	s31 =	simm.s32 $0x9500  }
0x8c: {  	[tilespmem:s31], [sflag:$0x3] =	stream.indirect_vreg.gather [hbm4b:s11+s4], $0x80, v7, vm0, $0xb8;
	[tilespmem:$0x10500] =	vst v63  }
0x8d: {  	s31 =	simm.s32 $0x9D00  }
0x8e: {  	[tilespmem:s31], [sflag:$0x3] =	stream.indirect_vreg.gather [hbm4b:s12+s4], $0x80, v7, vm0, $0xb8;
	[tilespmem:$0x10500] =	vst v63  }
0x8f: {  	s31 =	simm.s32 $0xA500  }
0x90: {  	[tilespmem:s31], [sflag:$0x3] =	stream.indirect_vreg.gather [hbm4b:s3+s4], $0x80, v5, vm0, $0xb8;
	[tilespmem:$0x10500] =	vst v63  }
0x91: {  	s31 =	simm.s32 $0xAD00  }
0x92: {  	[tilespmem:s31], [sflag:$0x3] =	stream.indirect_vreg.gather [hbm4b:s10+s4], $0x80, v5, vm0, $0xb8;
	[tilespmem:$0x10500] =	vst v63  }
0x93: {  	s31 =	simm.s32 $0xB500  }
0x94: {  	[tilespmem:s31], [sflag:$0x3] =	stream.indirect_vreg.gather [hbm4b:s11+s4], $0x80, v5, vm0, $0xb8;
	[tilespmem:$0x10500] =	vst v63  }
0x95: {  	s31 =	simm.s32 $0xBD00  }
0x96: {  	[tilespmem:s31], [sflag:$0x3] =	stream.indirect_vreg.gather [hbm4b:s12+s4], $0x80, v5, vm0, $0xb8;
	[tilespmem:$0x10500] =	vst v63  }
0x97: {  	v5 =	vld [tilespmem:$0x8490];
	_ =	sdelay $0x4  }
0x98: {  	v6 =	vshll.u32 v5, $0x3  }
0x99: {  	v5 =	vand.u32 $0x7, v5;
	v6 =	vand.u32 $0xFFFFFFC0, v6  }
0x9a: {  	v5 =	vor.u32 v5, v6  }
0x9b: {  	v6 =	vperm.xlane v5, v1;
	_ =	sdelay $0x1  }
0x9c: {  	v6 =	vadd.s32 v2, v6;
	_ =	sdelay $0x3  }
0x9d: {  	s31 =	simm.s32 $0xC500  }
0x9e: {  	[tilespmem:s31], [sflag:$0x3] =	stream.indirect_vreg.gather [hbm4b:s3+s4], $0x80, v6, vm0, $0xb8;
	[tilespmem:$0x10500] =	vst v63  }
0x9f: {  	v5 =	vperm.xlane v5, v3;
	s31 =	simm.s32 $0xCD00  }
0xa0: {  	[tilespmem:s31], [sflag:$0x3] =	stream.indirect_vreg.gather [hbm4b:s10+s4], $0x80, v6, vm0, $0xb8;
	[tilespmem:$0x10500] =	vst v63  }
0xa1: {  	v5 =	vadd.s32 v2, v5;
	s31 =	simm.s32 $0xD500  }
0xa2: {  	[tilespmem:s31], [sflag:$0x3] =	stream.indirect_vreg.gather [hbm4b:s11+s4], $0x80, v6, vm0, $0xb8;
	[tilespmem:$0x10500] =	vst v63  }
0xa3: {  	s31 =	simm.s32 $0xDD00  }
0xa4: {  	[tilespmem:s31], [sflag:$0x3] =	stream.indirect_vreg.gather [hbm4b:s12+s4], $0x80, v6, vm0, $0xb8;
	[tilespmem:$0x10500] =	vst v63  }
0xa5: {  	s31 =	simm.s32 $0xE500  }
0xa6: {  	[tilespmem:s31], [sflag:$0x3] =	stream.indirect_vreg.gather [hbm4b:s3+s4], $0x80, v5, vm0, $0xb8;
	[tilespmem:$0x10500] =	vst v63  }
0xa7: {  	s31 =	simm.s32 $0xED00  }
0xa8: {  	[tilespmem:s31], [sflag:$0x3] =	stream.indirect_vreg.gather [hbm4b:s10+s4], $0x80, v5, vm0, $0xb8;
	[tilespmem:$0x10500] =	vst v63  }
0xa9: {  	s31 =	simm.s32 $0xF500  }
0xaa: {  	[tilespmem:s31], [sflag:$0x3] =	stream.indirect_vreg.gather [hbm4b:s11+s4], $0x80, v5, vm0, $0xb8;
	[tilespmem:$0x10500] =	vst v63  }
0xab: {  	s31 =	simm.s32 $0xFD00  }
0xac: {  	[tilespmem:s31], [sflag:$0x3] =	stream.indirect_vreg.gather [hbm4b:s12+s4], $0x80, v5, vm0, $0xb8;
	[tilespmem:$0x10500] =	vst v63  }
0xad: {  	s31 =	simm.s32 $0x3  }
0xae: {  	_ =	swait.ge [sflag:s31], $0x8000  }
0xaf: {  	[sflag:s31] =	ssyncset.done $0x0  }
0xb0: {  	[sflag:s31] =	ssyncadd.s32 $0xFFFF8000;
	s31 =	rddreg [dreg:$0x7]  }
0xb1: {  	[hbm4b:s31+s4] =	stream.linear.scatter [tilespmem:s30], [sflag:$0x4], $0x6000, $0x38;
	[tilespmem:$0x10500] =	vst v63  }
0xb2: {  	_ =	swait.ge [sflag:s19], $0x6000  }
0xb3: {  	[sflag:s19] =	ssyncset.done $0x0  }
0xb4: {  	[sflag:s19] =	ssyncadd.s32 $0xFFFFA000  }
.LBB2_4:
0xb5: {  	s30 =	simm.s32 $0x80;
	s31 =	rddreg [dreg:$0xc]  }
.LBB2_5:
0xb6: {  	s3 =	sshra.s32 s30, $0x2  }
0xb7: {  	v5 =	vld [tilespmem:s3+$0xFFFFFFF0];
	_ =	sdelay $0x4  }
0xb8: {  	v6 =	vshll.u32 v5, $0x3  }
0xb9: {  	v5 =	vand.u32 $0x7, v5;
	v6 =	vand.u32 $0xFFFFFFC0, v6  }
0xba: {  	v5 =	vor.u32 v5, v6  }
0xbb: {  	v6 =	vperm.xlane v5, v1;
	_ =	sdelay $0x1  }
0xbc: {  	v6 =	vadd.s32 v2, v6;
	_ =	sdelay $0x4  }
0xbd: {  	[tilespmem:s0], [sflag:$0x2] =	stream.indirect_vreg.gather [hbm4b:s1+s4], $0x80, v6, vm0, $0xb8;
	[tilespmem:$0x10500] =	vst v63  }
0xbe: {  	v5 =	vperm.xlane v5, v3  }
0xbf: {  	[tilespmem:s2], [sflag:$0x2] =	stream.indirect_vreg.gather [hbm4b:s6+s4], $0x80, v6, vm0, $0xb8;
	[tilespmem:$0x10500] =	vst v63  }
0xc0: {  	v5 =	vadd.s32 v2, v5  }
0xc1: {  	[tilespmem:s14], [sflag:$0x2] =	stream.indirect_vreg.gather [hbm4b:s7+s4], $0x80, v6, vm0, $0xb8;
	[tilespmem:$0x10500] =	vst v63  }
0xc2: {  	_ = 	snop  }
0xc3: {  	[tilespmem:s29], [sflag:$0x2] =	stream.indirect_vreg.gather [hbm4b:s8+s4], $0x80, v6, vm0, $0xb8;
	[tilespmem:$0x10500] =	vst v63  }
0xc4: {  	_ = 	snop  }
0xc5: {  	[tilespmem:s13], [sflag:$0x2] =	stream.indirect_vreg.gather [hbm4b:s1+s4], $0x80, v5, vm0, $0xb8;
	[tilespmem:$0x10500] =	vst v63  }
0xc6: {  	_ = 	snop  }
0xc7: {  	[tilespmem:s5], [sflag:$0x2] =	stream.indirect_vreg.gather [hbm4b:s6+s4], $0x80, v5, vm0, $0xb8;
	[tilespmem:$0x10500] =	vst v63  }
0xc8: {  	_ = 	snop  }
0xc9: {  	[tilespmem:s9], [sflag:$0x2] =	stream.indirect_vreg.gather [hbm4b:s7+s4], $0x80, v5, vm0, $0xb8;
	[tilespmem:$0x10500] =	vst v63  }
0xca: {  	_ = 	snop  }
0xcb: {  	[tilespmem:s15], [sflag:$0x2] =	stream.indirect_vreg.gather [hbm4b:s8+s4], $0x80, v5, vm0, $0xb8;
	[tilespmem:$0x10500] =	vst v63  }
0xcc: {  	_ =	swait.ge [sflag:s16], $0x4000  }
0xcd: {  	[sflag:s16] =	ssyncset.done $0x0  }
0xce: {  	[sflag:s16] =	ssyncadd.s32 $0xFFFFC000  }
0xcf: {  	[hbm4b:s31+s4] =	stream.linear.scatter [tilespmem:s20], [sflag:$0x4], $0x4000, $0x38;
	[tilespmem:$0x10500] =	vst v63  }
0xd0: {  	_ =	swait.ge [sflag:s19], $0x4000  }
0xd1: {  	[sflag:s19] =	ssyncset.done $0x0  }
0xd2: {  	[sflag:s19] =	ssyncadd.s32 $0xFFFFC000  }
0xd3: {  	v5 =	vld [tilespmem:s3+$0x0];
	_ =	sdelay $0x4  }
0xd4: {  	v6 =	vshll.u32 v5, $0x3  }
0xd5: {  	v5 =	vand.u32 $0x7, v5;
	v6 =	vand.u32 $0xFFFFFFC0, v6  }
0xd6: {  	v5 =	vor.u32 v5, v6  }
0xd7: {  	v6 =	vperm.xlane v5, v1;
	_ =	sdelay $0x1  }
0xd8: {  	v6 =	vadd.s32 v2, v6;
	_ =	sdelay $0x4  }
0xd9: {  	[tilespmem:s20], [sflag:$0x1] =	stream.indirect_vreg.gather [hbm4b:s1+s4], $0x80, v6, vm0, $0xb8;
	[tilespmem:$0x10500] =	vst v63  }
0xda: {  	v5 =	vperm.xlane v5, v3  }
0xdb: {  	[tilespmem:s21], [sflag:$0x1] =	stream.indirect_vreg.gather [hbm4b:s6+s4], $0x80, v6, vm0, $0xb8;
	[tilespmem:$0x10500] =	vst v63  }
0xdc: {  	v5 =	vadd.s32 v2, v5  }
0xdd: {  	[tilespmem:s22], [sflag:$0x1] =	stream.indirect_vreg.gather [hbm4b:s7+s4], $0x80, v6, vm0, $0xb8;
	[tilespmem:$0x10500] =	vst v63  }
0xde: {  	_ = 	snop  }
0xdf: {  	[tilespmem:s23], [sflag:$0x1] =	stream.indirect_vreg.gather [hbm4b:s8+s4], $0x80, v6, vm0, $0xb8;
	[tilespmem:$0x10500] =	vst v63  }
0xe0: {  	_ = 	snop  }
0xe1: {  	[tilespmem:s24], [sflag:$0x1] =	stream.indirect_vreg.gather [hbm4b:s1+s4], $0x80, v5, vm0, $0xb8;
	[tilespmem:$0x10500] =	vst v63  }
0xe2: {  	_ = 	snop  }
0xe3: {  	[tilespmem:s25], [sflag:$0x1] =	stream.indirect_vreg.gather [hbm4b:s6+s4], $0x80, v5, vm0, $0xb8;
	[tilespmem:$0x10500] =	vst v63  }
0xe4: {  	_ = 	snop  }
0xe5: {  	[tilespmem:s26], [sflag:$0x1] =	stream.indirect_vreg.gather [hbm4b:s7+s4], $0x80, v5, vm0, $0xb8;
	[tilespmem:$0x10500] =	vst v63  }
0xe6: {  	_ = 	snop  }
0xe7: {  	[tilespmem:s28], [sflag:$0x1] =	stream.indirect_vreg.gather [hbm4b:s8+s4], $0x80, v5, vm0, $0xb8;
	[tilespmem:$0x10500] =	vst v63  }
0xe8: {  	_ =	swait.ge [sflag:s17], $0x4000  }
0xe9: {  	p1 =	sne.s32 s30, $0xF80;
	[sflag:s17] =	ssyncset.done $0x0  }
.Ltmp2:
0xea: {  	s3 =	sadd.s32 $0x800, s31;
	[sflag:s17] =	ssyncadd.s32 $0xFFFFC000;
	(pc) =	sbr.rel @p1 .LBB2_5-.Ltmp2, $4  }
0xeb: {  	[hbm4b:s3+s4] =	stream.linear.scatter [tilespmem:s0], [sflag:$0x4], $0x4000, $0x38;
	[tilespmem:$0x10500] =	vst v63  }
0xec: {  	_ =	swait.ge [sflag:s19], $0x4000  }
0xed: {  	[sflag:s19] =	ssyncset.done $0x0  }
0xee: {  	s30 =	sadd.s32 $0x80, s30;
	s31 =	sadd.s32 $0x1000, s31;
	[sflag:s19] =	ssyncadd.s32 $0xFFFFC000  }
0xef: {  	v5 =	vld [tilespmem:$0x3F0];
	_ =	sdelay $0x4  }
0xf0: {  	v6 =	vshll.u32 v5, $0x3  }
0xf1: {  	v5 =	vand.u32 $0x7, v5;
	v6 =	vand.u32 $0xFFFFFFC0, v6  }
0xf2: {  	v5 =	vor.u32 v5, v6  }
0xf3: {  	v6 =	vperm.xlane v5, v1;
	_ =	sdelay $0x1  }
0xf4: {  	v6 =	vadd.s32 v2, v6;
	_ =	sdelay $0x4  }
0xf5: {  	[tilespmem:s0], [sflag:$0x2] =	stream.indirect_vreg.gather [hbm4b:s1+s4], $0x80, v6, vm0, $0xb8;
	[tilespmem:$0x10500] =	vst v63  }
0xf6: {  	v5 =	vperm.xlane v5, v3  }
0xf7: {  	[tilespmem:s2], [sflag:$0x2] =	stream.indirect_vreg.gather [hbm4b:s6+s4], $0x80, v6, vm0, $0xb8;
	[tilespmem:$0x10500] =	vst v63  }
0xf8: {  	v5 =	vadd.s32 v2, v5  }
0xf9: {  	[tilespmem:s14], [sflag:$0x2] =	stream.indirect_vreg.gather [hbm4b:s7+s4], $0x80, v6, vm0, $0xb8;
	[tilespmem:$0x10500] =	vst v63  }
0xfa: {  	_ = 	snop  }
0xfb: {  	[tilespmem:s29], [sflag:$0x2] =	stream.indirect_vreg.gather [hbm4b:s8+s4], $0x80, v6, vm0, $0xb8;
	[tilespmem:$0x10500] =	vst v63  }
0xfc: {  	_ = 	snop  }
0xfd: {  	[tilespmem:s13], [sflag:$0x2] =	stream.indirect_vreg.gather [hbm4b:s1+s4], $0x80, v5, vm0, $0xb8;
	[tilespmem:$0x10500] =	vst v63  }
0xfe: {  	_ = 	snop  }
0xff: {  	[tilespmem:s5], [sflag:$0x2] =	stream.indirect_vreg.gather [hbm4b:s6+s4], $0x80, v5, vm0, $0xb8;
	[tilespmem:$0x10500] =	vst v63  }
0x100: {  	_ = 	snop  }
0x101: {  	[tilespmem:s9], [sflag:$0x2] =	stream.indirect_vreg.gather [hbm4b:s7+s4], $0x80, v5, vm0, $0xb8;
	[tilespmem:$0x10500] =	vst v63  }
0x102: {  	_ = 	snop  }
0x103: {  	[tilespmem:s15], [sflag:$0x2] =	stream.indirect_vreg.gather [hbm4b:s8+s4], $0x80, v5, vm0, $0xb8;
	[tilespmem:$0x10500] =	vst v63  }
0x104: {  	_ =	swait.ge [sflag:s16], $0x4000  }
0x105: {  	[sflag:s16] =	ssyncset.done $0x0  }
0x106: {  	s3 =	rddreg [dreg:$0xa];
	[sflag:s16] =	ssyncadd.s32 $0xFFFFC000  }
0x107: {  	[hbm4b:s3+s4] =	stream.linear.scatter [tilespmem:s20], [sflag:$0x4], $0x4000, $0x38;
	[tilespmem:$0x10500] =	vst v63  }
0x108: {  	_ =	swait.ge [sflag:s19], $0x4000  }
0x109: {  	[sflag:s19] =	ssyncset.done $0x0  }
0x10a: {  	[sflag:s19] =	ssyncadd.s32 $0xFFFFC000  }
0x10b: {  	_ =	swait.ge [sflag:s17], $0x4000  }
0x10c: {  	[sflag:s17] =	ssyncset.done $0x0  }
0x10d: {  	s30 =	rddreg [dreg:$0xb];
	[sflag:s17] =	ssyncadd.s32 $0xFFFFC000  }
0x10e: {  	[hbm4b:s30+s4] =	stream.linear.scatter [tilespmem:s0], [sflag:$0x4], $0x4000, $0x38;
	[tilespmem:$0x10500] =	vst v63  }
0x10f: {  	_ =	swait.ge [sflag:s19], $0x4000  }
0x110: {  	s18 =	sadd.s32 $0x1, s18;
	s31 =	rddreg [dreg:$0x9]  }
0x111: {  	p1 =	sne.s32 s18, s31  }
.Ltmp3:
0x112: {  	_ = 	snop;
	(pc) =	sbr.rel @p1 .LBB2_1-.Ltmp3, $3  }
0x113: {  	_ =	sdelay $0x1  }
0x114: {  	[sflag:s19] =	ssyncset.done $0x0  }
0x115: {  	[sflag:s19] =	ssyncadd.s32 $0xFFFFC000  }
0x116: {  	_ =	sfence.sel $0x180000  }
0x117: {  	[bflag:$0x0] =	sbarrier.arrive $0xFFFF  }
0x118: {  	_ =	strace $0x90000047  }
0x119: {  	s0 =	stileid.u32;
	[bflag:$0x2] =	sbarrier.arrive $0xFFFF  }
0x11a: {  	p0 =	sne.s32 s0, $0x0;
	s0 =	rddreg [dreg:$0x4]  }
0x11b: {  	s0 =	sadd.s32 @!p0 $0x100000, s0  }
0x11c: {  	[sflag:s0] =	ssyncadd.tile.s32 @!p0 $0x1;
	_ =	shalt  }
.Lfunc_end2:
_tile_overlayer_lowered:
.L_overlay_start_2:
0x11d: {  	(tag) =	ssettag $0x2  }
0x11e: {  	s0 =	rddreg [dreg:$0x0];
	s2 =	stileid.u32  }
0x11f: {  	s1 =	rddreg [dreg:$0x1];
	p0 =	sne.s32 s2, $0x0  }
0x120: {  	s3 =	rddreg [dreg:$0x2];
	[bflag:$0x3] =	sbarrier.arrive $0xFFFF;
	s2 =	simm.s32 @!p0 $0x1C04  }
0x121: {  	[timem:s3], [sflag:s2] =	dma.local @!p0 [hbm:s0], s1  }
0x122: {  	s0 =	simm.s32 @!p0 $0x4  }
0x123: {  	_ =	swait.ge @!p0 [sflag:s0], s1  }
0x124: {  	s1 =	ssub.s32 @!p0 $0x0, s1;
	[sflag:s0] =	ssyncset.done @!p0 $0x0  }
0x125: {  	[sflag:s0] =	ssyncadd.s32 @!p0 s1  }
0x126: {  	[bflag:$0x3] =	sbarrier.arrive $0xFFFF  }
0x127: {  	_ =	shalt  }

</sc_bundles>
